<compile_context>
chip_gen: v7x
topology: tpu7x:2x2x1
jax: 0.10.2.dev20260603
libtpu: 0.0.44.dev20260713+nightly
codegen_flags: <defaults>
</compile_context>

<pallas_src>
import functools

import jax
import jax.numpy as jnp
from jax import lax
from jax.experimental import pallas as pl
from jax.experimental.pallas import tpu as pltpu
from jax.experimental.pallas import tpu_sc as plsc

_NUM_SINK = 4
_ROWS = 32768
_NW = 32
_RPW = _ROWS // _NW
_CH = 56
_NFULL = _RPW // _CH
_CHT = _RPW - _NFULL * _CH
_LANES = 16

@functools.cache
def _make_evict():
    mesh = plsc.VectorSubcoreMesh(core_axis_name="c", subcore_axis_name="s")
    return functools.partial(
        pl.kernel,
        out_type=jax.ShapeDtypeStruct((_ROWS, 8, 128), jnp.float32),
        mesh=mesh,
        compiler_params=pltpu.CompilerParams(needs_layout_passes=False),
        scratch_types=[
            pltpu.VMEM((_LANES,), jnp.int32),
            pltpu.VMEM((_LANES,), jnp.int32),
            pltpu.VMEM((_RPW,), jnp.int32),
            pltpu.VMEM((_CH, 8, 128), jnp.float32),
            pltpu.VMEM((_CH, 8, 128), jnp.float32),
            pltpu.SemaphoreType.DMA,
            pltpu.SemaphoreType.DMA,
            pltpu.SemaphoreType.DMA,
            pltpu.SemaphoreType.DMA,
        ],
    )(_evict)


def _evict(cache_hbm, ne_hbm, cl_hbm, out_hbm,
           ne_v, cl_v, idx_all, buf0, buf1,
           gsem0, gsem1, ssem0, ssem1):
    cid = lax.axis_index("c")
    sid = lax.axis_index("s")
    wid = sid * 2 + cid
    b = wid // 2
    base_row = wid * _RPW

    pltpu.sync_copy(ne_hbm, ne_v)
    pltpu.sync_copy(cl_hbm, cl_v)
    lanes = lax.iota(jnp.int32, _LANES)
    bvec = jnp.full((_LANES,), 0, jnp.int32) + b
    ne = plsc.load_gather(ne_v, [bvec])
    tg = plsc.load_gather(cl_v, [bvec]) - ne

    def fill_group(k, carry):
        r = base_row + k * _LANES + lanes
        t = (((r >> 5) - (b << 6)) << 4) + (r & 15)
        st = t + jnp.where((t >= _NUM_SINK) & (t < tg), ne, 0)
        idx_all[pl.ds(k * _LANES, _LANES)] = (
            (b << 11) + ((st >> 4) << 5) + (r & 16) + (st & 15)
        )
        return carry

    lax.fori_loop(0, _RPW // _LANES, fill_group, 0)

    buf = (buf0, buf1)
    gsem = (gsem0, gsem1)
    ssem = (ssem0, ssem1)

    def bref(j, n):
        return buf[j] if n == _CH else buf[j].at[pl.ds(0, n)]

    def gather(c, j, n):
        return pltpu.make_async_copy(
            cache_hbm.at[idx_all.at[pl.ds(c * _CH, n)]], bref(j, n), gsem[j])

    def scatter(c, j, n):
        return pltpu.make_async_copy(
            bref(j, n), out_hbm.at[pl.ds(base_row + c * _CH, n)], ssem[j])

    def do_chunk(c, j, n, pn, drain):
        gather(c, j, n).wait()
        scatter(c, j, n).start()
        if pn:
            if drain:
                scatter(c - 1, 1 - j, _CH).wait()
            gather(c + 1, 1 - j, pn).start()

    gather(0, 0, _CH).start()
    do_chunk(0, 0, _CH, _CH, False)

    def outer(o, carry):
        do_chunk(2 * o + 1, 1, _CH, _CH, True)
        do_chunk(2 * o + 2, 0, _CH, _CH, True)
        return carry

    lax.fori_loop(0, (_NFULL - 2) // 2, outer, 0)
    do_chunk(_NFULL - 1, 1, _CH, _CHT, True)
    do_chunk(_NFULL, 0, _CHT, 0, False)
    scatter(_NFULL - 1, 1, _CH).wait()
    scatter(_NFULL, 0, _CHT).wait()


def kernel(kv_cache, num_evicts, cachelens, n_local_heads, head_dim):
    flat = kv_cache.reshape(_ROWS, 8, 128)
    out = _make_evict()(flat,
                        num_evicts.astype(jnp.int32),
                        cachelens.astype(jnp.int32))
    return out.reshape(kv_cache.shape)

# --- scband reference (transcript-rebuilt; emitter-appended) ---
"""Pipeline reference for scband-streaming-kvcache-81844896792692 (READ-ONLY COPY).

The authoritative reference and input builder live on the scoring server;
editing this copy changes nothing except your own understanding.
"""

import jax, jax.numpy as jnp
import numpy as np

NUM_SINK_TOKENS = 4
PAGE_SIZE = 16


def setup_inputs(seed: int = 0) -> dict:
    key = jax.random.key(seed)
    k1, k2, k3 = jax.random.split(key, 3)
    kv_cache = jax.random.normal(k1, (1024, 2, 16, 8, 128), dtype=jnp.float32)
    num_evicts = jax.random.randint(k2, (16,), 0, 128, dtype=jnp.int32)
    cachelens = jax.random.randint(k3, (16,), 0, 1024, dtype=jnp.int32)
    return {
        "kv_cache": kv_cache,
        "num_evicts": num_evicts,
        "cachelens": cachelens,
        "n_local_heads": 8,
        "head_dim": 128,
    }


def reference(kv_cache, num_evicts, cachelens, n_local_heads, head_dim):
    # Faithful translation of StreamingKVCache.evict_kv:
    # tokens in [num_sink + num_evicts, cachelens) are shifted down to
    # [num_sink, cachelens - num_evicts) per batch row, preserving sink tokens.
    bsz = num_evicts.shape[0]
    nlh = kv_cache.shape[3]
    hd = kv_cache.shape[4]
    zero = (jnp.asarray(n_local_heads) * 0 + jnp.asarray(head_dim) * 0).astype(jnp.int32)
    key_states = kv_cache[:, 0].reshape(bsz, -1, nlh, hd)
    value_states = kv_cache[:, 1].reshape(bsz, -1, nlh, hd)
    max_kv_len = key_states.shape[1]
    positions = jnp.arange(max_kv_len, dtype=jnp.int32)[None, :]  # [1, L]
    target_cachelens = (cachelens - num_evicts).astype(jnp.int32)[:, None]  # [bsz, 1]
    # write range: [num_sink, target_cachelens)
    mask_write = (positions >= NUM_SINK_TOKENS) & (positions < target_cachelens)
    # the ordered boolean read range [num_sink + num_evicts, cachelens) aligned
    # with the write range is equivalent to a per-row gather at p + num_evicts
    src = jnp.clip(positions + num_evicts[:, None].astype(jnp.int32), 0, max_kv_len - 1) + zero
    idx = jnp.broadcast_to(src[:, :, None, None], key_states.shape)
    k_shifted = jnp.take_along_axis(key_states, idx, axis=1)
    v_shifted = jnp.take_along_axis(value_states, idx, axis=1)
    m = mask_write[:, :, None, None]
    new_k = jnp.where(m, k_shifted, key_states)
    new_v = jnp.where(m, v_shifted, value_states)
    new_k = new_k.reshape(-1, PAGE_SIZE, nlh, hd)
    new_v = new_v.reshape(-1, PAGE_SIZE, nlh, hd)
    # equivalent of self.kv_cache[:, 0].copy_(...) / [:, 1].copy_(...)
    return jnp.stack((new_k, new_v), axis=1)

if __name__ == "__main__":
    import jax
    _d = setup_inputs()
    print(jax.jit(kernel)(*tuple(_d.values())))

</pallas_src>

<mosaic_0001>
#map = affine_map<(d0, d1) -> (0, 0, 0)>
#map1 = affine_map<(d0, d1) -> (0)>
module attributes {stable_mosaic.version = 14 : i64} {
  func.func @_evict(%arg0: i32, %arg1: i32, %arg2: memref<32768x8x128xf32, #tpu.memory_space<hbm>>, %arg3: memref<16xi32, #tpu.memory_space<hbm>>, %arg4: memref<16xi32, #tpu.memory_space<hbm>>, %arg5: memref<32768x8x128xf32, #tpu.memory_space<hbm>>, %arg6: memref<16xi32, #tpu.memory_space<vmem>>, %arg7: memref<16xi32, #tpu.memory_space<vmem>>, %arg8: memref<1024xi32, #tpu.memory_space<vmem>>, %arg9: memref<56x8x128xf32, #tpu.memory_space<vmem>>, %arg10: memref<56x8x128xf32, #tpu.memory_space<vmem>>, %arg11: memref<!tpu.dma_semaphore, #tpu.memory_space<semaphore_mem>>, %arg12: memref<!tpu.dma_semaphore, #tpu.memory_space<semaphore_mem>>, %arg13: memref<!tpu.dma_semaphore, #tpu.memory_space<semaphore_mem>>, %arg14: memref<!tpu.dma_semaphore, #tpu.memory_space<semaphore_mem>>) attributes {dimension_semantics = [#tpu.dimension_semantics<core_parallel>, #tpu.dimension_semantics<subcore_parallel>], iteration_bounds = array<i64: 2, 16>, scalar_prefetch = 0 : i64, scratch_operands = 9 : i64, tpu.core_type = #tpu.core_type<sc_vector_subcore>, window_params = [{transform_indices = #map}, {transform_indices = #map1}, {transform_indices = #map1}, {transform_indices = #map}]} {
    %mul3A = arith.constant 2 : i32
    %mul3A_0 = arith.muli %arg1, %mul3A : i32
    %add3A = arith.addi %mul3A_0, %arg0 : i32
    %jit3A = arith.constant 2 : i32
    %div3A = arith.divsi %add3A, %jit3A : i32
    %sign3A = arith.constant 0 : i32
    %sign3A_1 = arith.cmpi sgt, %add3A, %sign3A : i32
    %sign3A_2 = arith.extui %sign3A_1 : i1 to i32
    %sign3A_3 = arith.constant 0 : i32
    %sign3A_4 = arith.cmpi slt, %add3A, %sign3A_3 : i32
    %sign3A_5 = arith.extui %sign3A_4 : i1 to i32
    %sign3A_6 = arith.subi %sign3A_2, %sign3A_5 : i32
    %sign3A_7 = arith.constant 0 : i32
    %sign3A_8 = arith.cmpi sgt, %jit3A, %sign3A_7 : i32
    %sign3A_9 = arith.extui %sign3A_8 : i1 to i32
    %sign3A_10 = arith.constant 0 : i32
    %sign3A_11 = arith.cmpi slt, %jit3A, %sign3A_10 : i32
    %sign3A_12 = arith.extui %sign3A_11 : i1 to i32
    %sign3A_13 = arith.subi %sign3A_9, %sign3A_12 : i32
    %ne3A = arith.cmpi ne, %sign3A_6, %sign3A_13 : i32
    %rem3A = arith.remsi %add3A, %jit3A : i32
    %ne3A_14 = arith.constant 0 : i32
    %ne3A_15 = arith.cmpi ne, %rem3A, %ne3A_14 : i32
    %and3A = arith.andi %ne3A, %ne3A_15 : i1
    %sub3A = arith.constant 1 : i32
    %sub3A_16 = arith.subi %div3A, %sub3A : i32
    %select_n3A = arith.select %and3A, %sub3A_16, %div3A : i32
    %mul3A_17 = arith.constant 1024 : i32
    %mul3A_18 = arith.muli %add3A, %mul3A_17 : i32
    "tpu.region"() ({
      %run_scoped3A = tpu.sem_alloc : memref<!tpu.dma_semaphore, #tpu.memory_space<semaphore_mem>>
      tpu.enqueue_dma source(%arg3 : memref<16xi32, #tpu.memory_space<hbm>>) target(%arg6 : memref<16xi32, #tpu.memory_space<vmem>>) target_semaphore(%run_scoped3A : memref<!tpu.dma_semaphore, #tpu.memory_space<semaphore_mem>>)
      tpu.wait_dma2 semaphore(%run_scoped3A : memref<!tpu.dma_semaphore, #tpu.memory_space<semaphore_mem>>) src(%arg3 : memref<16xi32, #tpu.memory_space<hbm>>) dst(%arg6 : memref<16xi32, #tpu.memory_space<vmem>>)
      tpu.yield
    }) : () -> ()
    "tpu.region"() ({
      %run_scoped3A = tpu.sem_alloc : memref<!tpu.dma_semaphore, #tpu.memory_space<semaphore_mem>>
      tpu.enqueue_dma source(%arg4 : memref<16xi32, #tpu.memory_space<hbm>>) target(%arg7 : memref<16xi32, #tpu.memory_space<vmem>>) target_semaphore(%run_scoped3A : memref<!tpu.dma_semaphore, #tpu.memory_space<semaphore_mem>>)
      tpu.wait_dma2 semaphore(%run_scoped3A : memref<!tpu.dma_semaphore, #tpu.memory_space<semaphore_mem>>) src(%arg4 : memref<16xi32, #tpu.memory_space<hbm>>) dst(%arg7 : memref<16xi32, #tpu.memory_space<vmem>>)
      tpu.yield
    }) : () -> ()
    %iota3A = tpu.iota {dimensions = array<i32: 0>} : vector<16xi32>
    %broadcast_in_dim3A = arith.constant 0 : i32
    %broadcast_in_dim3A_19 = vector.broadcast %broadcast_in_dim3A : i32 to vector<16xi32>
    %add3A_20 = vector.broadcast %select_n3A : i32 to vector<16xi32>
    %add3A_21 = arith.addi %broadcast_in_dim3A_19, %add3A_20 : vector<16xi32>
    %gather3A = tpu.vector_load_idx %arg6[%add3A_21] : memref<16xi32, #tpu.memory_space<vmem>>[vector<16xi32>], vector<16xi32>,
    %gather3A_22 = tpu.vector_load_idx %arg7[%add3A_21] : memref<16xi32, #tpu.memory_space<vmem>>[vector<16xi32>], vector<16xi32>,
    %sub3A_23 = arith.subi %gather3A_22, %gather3A : vector<16xi32>
    %scan3A = arith.constant 0 : i32
    %scan3A_24 = arith.constant 0 : i32
    %scan3A_25 = arith.constant 64 : i32
    %scan3A_26 = arith.addi %scan3A_24, %scan3A_25 : i32
    %scan3A_27 = arith.constant 1 : i32
    scf.for %scan3A_141 = %scan3A_24 to %scan3A_26 step %scan3A_27  : i32 {
      %mul3A_142 = arith.constant 16 : i32
      %mul3A_143 = arith.muli %scan3A_141, %mul3A_142 : i32
      %add3A_144 = arith.addi %mul3A_18, %mul3A_143 : i32
      %add3A_145 = vector.broadcast %add3A_144 : i32 to vector<16xi32>
      %add3A_146 = arith.addi %add3A_145, %iota3A : vector<16xi32>
      %shift_right_arithmetic3A = arith.constant 5 : i32
      %shift_right_arithmetic3A_147 = vector.broadcast %shift_right_arithmetic3A : i32 to vector<16xi32>
      %shift_right_arithmetic3A_148 = arith.shrsi %add3A_146, %shift_right_arithmetic3A_147 : vector<16xi32>
      %shift_left3A = arith.constant 6 : i32
      %shift_left3A_149 = arith.shli %select_n3A, %shift_left3A : i32
      %sub3A_150 = vector.broadcast %shift_left3A_149 : i32 to vector<16xi32>
      %sub3A_151 = arith.subi %shift_right_arithmetic3A_148, %sub3A_150 : vector<16xi32>
      %shift_left3A_152 = arith.constant 4 : i32
      %shift_left3A_153 = vector.broadcast %shift_left3A_152 : i32 to vector<16xi32>
      %shift_left3A_154 = arith.shli %sub3A_151, %shift_left3A_153 : vector<16xi32>
      %and3A_155 = arith.constant 15 : i32
      %and3A_156 = vector.broadcast %and3A_155 : i32 to vector<16xi32>
      %and3A_157 = arith.andi %add3A_146, %and3A_156 : vector<16xi32>
      %add3A_158 = arith.addi %shift_left3A_154, %and3A_157 : vector<16xi32>
      %ge3A = arith.constant 4 : i32
      %ge3A_159 = vector.broadcast %ge3A : i32 to vector<16xi32>
      %ge3A_160 = arith.cmpi sge, %add3A_158, %ge3A_159 : vector<16xi32>
      %lt3A = arith.cmpi slt, %add3A_158, %sub3A_23 : vector<16xi32>
      %and3A_161 = arith.andi %ge3A_160, %lt3A : vector<16xi1>
      %jit3A_162 = arith.constant 0 : i32
      %broadcast_in_dim3A_163 = vector.broadcast %jit3A_162 : i32 to vector<16xi32>
      %select_n3A_164 = arith.select %and3A_161, %gather3A, %broadcast_in_dim3A_163 : vector<16xi1>, vector<16xi32>
      %add3A_165 = arith.addi %add3A_158, %select_n3A_164 : vector<16xi32>
      %shift_left3A_166 = arith.constant 11 : i32
      %shift_left3A_167 = arith.shli %select_n3A, %shift_left3A_166 : i32
      %shift_right_arithmetic3A_168 = arith.constant 4 : i32
      %shift_right_arithmetic3A_169 = vector.broadcast %shift_right_arithmetic3A_168 : i32 to vector<16xi32>
      %shift_right_arithmetic3A_170 = arith.shrsi %add3A_165, %shift_right_arithmetic3A_169 : vector<16xi32>
      %shift_left3A_171 = arith.constant 5 : i32
      %shift_left3A_172 = vector.broadcast %shift_left3A_171 : i32 to vector<16xi32>
      %shift_left3A_173 = arith.shli %shift_right_arithmetic3A_170, %shift_left3A_172 : vector<16xi32>
      %add3A_174 = vector.broadcast %shift_left3A_167 : i32 to vector<16xi32>
      %add3A_175 = arith.addi %add3A_174, %shift_left3A_173 : vector<16xi32>
      %and3A_176 = arith.constant 16 : i32
      %and3A_177 = vector.broadcast %and3A_176 : i32 to vector<16xi32>
      %and3A_178 = arith.andi %add3A_146, %and3A_177 : vector<16xi32>
      %add3A_179 = arith.addi %add3A_175, %and3A_178 : vector<16xi32>
      %and3A_180 = arith.constant 15 : i32
      %and3A_181 = vector.broadcast %and3A_180 : i32 to vector<16xi32>
      %and3A_182 = arith.andi %add3A_165, %and3A_181 : vector<16xi32>
      %add3A_183 = arith.addi %add3A_179, %and3A_182 : vector<16xi32>
      %mul3A_184 = arith.constant 16 : i32
      %mul3A_185 = arith.muli %scan3A_141, %mul3A_184 : i32
      %swap3A = arith.index_cast %mul3A_185 : i32 to index
      %swap3A_186 = tpu.vector_load %arg8[%swap3A] {strides = array<i32>} : memref<1024xi32, #tpu.memory_space<vmem>>, vector<16xi32>,
      tpu.vector_store %arg8[%swap3A], %add3A_183 {strides = array<i32>} : memref<1024xi32, #tpu.memory_space<vmem>>, vector<16xi32>,
    }
    %scan3A_28 = arith.constant 64 : i32
    %dma_start3A = arith.constant 0 : i32
    %dma_start3A_29 = tpu.memref_slice %arg8[%dma_start3A] : memref<1024xi32, #tpu.memory_space<vmem>> -> memref<56xi32, #tpu.memory_space<vmem>>
    %dma_start3A_30 = arith.constant 0 : i32
    %dma_start3A_31 = arith.constant 0 : i32
    %dma_start3A_32 = arith.constant 0 : i32
    %dma_start3A_33 = tpu.memref_slice %arg2[%dma_start3A_30, %dma_start3A_31, %dma_start3A_32] : memref<32768x8x128xf32, #tpu.memory_space<hbm>> -> memref<32768x8x128xf32, #tpu.memory_space<hbm>>
    tpu.enqueue_indirect_dma source(%dma_start3A_33 : memref<32768x8x128xf32, #tpu.memory_space<hbm>>) target(%arg9 : memref<56x8x128xf32, #tpu.memory_space<vmem>>) offsets(%dma_start3A_29 : memref<56xi32, #tpu.memory_space<vmem>>) semaphore(%arg11 : memref<!tpu.dma_semaphore, #tpu.memory_space<semaphore_mem>>)
    %dma_wait3A = arith.constant 0 : i32
    %dma_wait3A_34 = tpu.memref_slice %arg8[%dma_wait3A] : memref<1024xi32, #tpu.memory_space<vmem>> -> memref<56xi32, #tpu.memory_space<vmem>>
    %dma_wait3A_35 = arith.constant 0 : i32
    %dma_wait3A_36 = arith.constant 0 : i32
    %dma_wait3A_37 = arith.constant 0 : i32
    %dma_wait3A_38 = tpu.memref_slice %arg2[%dma_wait3A_35, %dma_wait3A_36, %dma_wait3A_37] : memref<32768x8x128xf32, #tpu.memory_space<hbm>> -> memref<32768x8x128xf32, #tpu.memory_space<hbm>>
    tpu.wait_indirect_dma semaphore(%arg11 : memref<!tpu.dma_semaphore, #tpu.memory_space<semaphore_mem>>) src(%dma_wait3A_38 : memref<32768x8x128xf32, #tpu.memory_space<hbm>>) dst(%arg9 : memref<56x8x128xf32, #tpu.memory_space<vmem>>)
    %add3A_39 = arith.constant 0 : i32
    %add3A_40 = arith.addi %mul3A_18, %add3A_39 : i32
    %dma_start3A_41 = arith.constant 0 : i32
    %dma_start3A_42 = arith.constant 0 : i32
    %dma_start3A_43 = tpu.memref_slice %arg5[%add3A_40, %dma_start3A_41, %dma_start3A_42] : memref<32768x8x128xf32, #tpu.memory_space<hbm>> -> memref<56x8x128xf32, #tpu.memory_space<hbm>>
    %dma_start3A_44 = arith.constant 0 : i32
    %dma_start3A_45 = arith.constant 0 : i32
    %dma_start3A_46 = tpu.memref_slice %arg5[%add3A_40, %dma_start3A_44, %dma_start3A_45] : memref<32768x8x128xf32, #tpu.memory_space<hbm>> -> memref<56x8x128xf32, #tpu.memory_space<hbm>>
    tpu.enqueue_dma source(%arg9 : memref<56x8x128xf32, #tpu.memory_space<vmem>>) target(%dma_start3A_46 : memref<56x8x128xf32, #tpu.memory_space<hbm>>) target_semaphore(%arg13 : memref<!tpu.dma_semaphore, #tpu.memory_space<semaphore_mem>>)
    %dma_start3A_47 = arith.constant 56 : i32
    %dma_start3A_48 = tpu.memref_slice %arg8[%dma_start3A_47] : memref<1024xi32, #tpu.memory_space<vmem>> -> memref<56xi32, #tpu.memory_space<vmem>>
    %dma_start3A_49 = arith.constant 0 : i32
    %dma_start3A_50 = arith.constant 0 : i32
    %dma_start3A_51 = arith.constant 0 : i32
    %dma_start3A_52 = tpu.memref_slice %arg2[%dma_start3A_49, %dma_start3A_50, %dma_start3A_51] : memref<32768x8x128xf32, #tpu.memory_space<hbm>> -> memref<32768x8x128xf32, #tpu.memory_space<hbm>>
    tpu.enqueue_indirect_dma source(%dma_start3A_52 : memref<32768x8x128xf32, #tpu.memory_space<hbm>>) target(%arg10 : memref<56x8x128xf32, #tpu.memory_space<vmem>>) offsets(%dma_start3A_48 : memref<56xi32, #tpu.memory_space<vmem>>) semaphore(%arg12 : memref<!tpu.dma_semaphore, #tpu.memory_space<semaphore_mem>>)
    %scan3A_53 = arith.constant 0 : i32
    %scan3A_54 = arith.constant 0 : i32
    %scan3A_55 = arith.constant 8 : i32
    %scan3A_56 = arith.addi %scan3A_54, %scan3A_55 : i32
    %scan3A_57 = arith.constant 1 : i32
    scf.for %scan3A_141 = %scan3A_54 to %scan3A_56 step %scan3A_57  : i32 {
      %mul3A_142 = arith.constant 2 : i32
      %mul3A_143 = arith.muli %mul3A_142, %scan3A_141 : i32
      %add3A_144 = arith.constant 1 : i32
      %add3A_145 = arith.addi %mul3A_143, %add3A_144 : i32
      %mul3A_146 = arith.constant 56 : i32
      %mul3A_147 = arith.muli %add3A_145, %mul3A_146 : i32
      %dma_wait3A_148 = tpu.memref_slice %arg8[%mul3A_147] : memref<1024xi32, #tpu.memory_space<vmem>> -> memref<56xi32, #tpu.memory_space<vmem>>
      %dma_wait3A_149 = arith.constant 0 : i32
      %dma_wait3A_150 = arith.constant 0 : i32
      %dma_wait3A_151 = arith.constant 0 : i32
      %dma_wait3A_152 = tpu.memref_slice %arg2[%dma_wait3A_149, %dma_wait3A_150, %dma_wait3A_151] : memref<32768x8x128xf32, #tpu.memory_space<hbm>> -> memref<32768x8x128xf32, #tpu.memory_space<hbm>>
      tpu.wait_indirect_dma semaphore(%arg12 : memref<!tpu.dma_semaphore, #tpu.memory_space<semaphore_mem>>) src(%dma_wait3A_152 : memref<32768x8x128xf32, #tpu.memory_space<hbm>>) dst(%arg10 : memref<56x8x128xf32, #tpu.memory_space<vmem>>)
      %mul3A_153 = arith.constant 56 : i32
      %mul3A_154 = arith.muli %add3A_145, %mul3A_153 : i32
      %add3A_155 = arith.addi %mul3A_18, %mul3A_154 : i32
      %dma_start3A_156 = arith.constant 0 : i32
      %dma_start3A_157 = arith.constant 0 : i32
      %dma_start3A_158 = tpu.memref_slice %arg5[%add3A_155, %dma_start3A_156, %dma_start3A_157] : memref<32768x8x128xf32, #tpu.memory_space<hbm>> -> memref<56x8x128xf32, #tpu.memory_space<hbm>>
      %dma_start3A_159 = arith.constant 0 : i32
      %dma_start3A_160 = arith.constant 0 : i32
      %dma_start3A_161 = tpu.memref_slice %arg5[%add3A_155, %dma_start3A_159, %dma_start3A_160] : memref<32768x8x128xf32, #tpu.memory_space<hbm>> -> memref<56x8x128xf32, #tpu.memory_space<hbm>>
      tpu.enqueue_dma source(%arg10 : memref<56x8x128xf32, #tpu.memory_space<vmem>>) target(%dma_start3A_161 : memref<56x8x128xf32, #tpu.memory_space<hbm>>) target_semaphore(%arg14 : memref<!tpu.dma_semaphore, #tpu.memory_space<semaphore_mem>>)
      %sub3A_162 = arith.constant 1 : i32
      %sub3A_163 = arith.subi %add3A_145, %sub3A_162 : i32
      %mul3A_164 = arith.constant 56 : i32
      %mul3A_165 = arith.muli %sub3A_163, %mul3A_164 : i32
      %add3A_166 = arith.addi %mul3A_18, %mul3A_165 : i32
      %dma_wait3A_167 = arith.constant 0 : i32
      %dma_wait3A_168 = arith.constant 0 : i32
      %dma_wait3A_169 = tpu.memref_slice %arg5[%add3A_166, %dma_wait3A_167, %dma_wait3A_168] : memref<32768x8x128xf32, #tpu.memory_space<hbm>> -> memref<56x8x128xf32, #tpu.memory_space<hbm>>
      %dma_wait3A_170 = arith.constant 0 : i32
      %dma_wait3A_171 = arith.constant 0 : i32
      %dma_wait3A_172 = tpu.memref_slice %arg5[%add3A_166, %dma_wait3A_170, %dma_wait3A_171] : memref<32768x8x128xf32, #tpu.memory_space<hbm>> -> memref<56x8x128xf32, #tpu.memory_space<hbm>>
      tpu.wait_dma2 semaphore(%arg13 : memref<!tpu.dma_semaphore, #tpu.memory_space<semaphore_mem>>) src(%arg9 : memref<56x8x128xf32, #tpu.memory_space<vmem>>) dst(%dma_wait3A_172 : memref<56x8x128xf32, #tpu.memory_space<hbm>>)
      %add3A_173 = arith.constant 1 : i32
      %add3A_174 = arith.addi %add3A_145, %add3A_173 : i32
      %mul3A_175 = arith.constant 56 : i32
      %mul3A_176 = arith.muli %add3A_174, %mul3A_175 : i32
      %dma_start3A_177 = tpu.memref_slice %arg8[%mul3A_176] : memref<1024xi32, #tpu.memory_space<vmem>> -> memref<56xi32, #tpu.memory_space<vmem>>
      %dma_start3A_178 = arith.constant 0 : i32
      %dma_start3A_179 = arith.constant 0 : i32
      %dma_start3A_180 = arith.constant 0 : i32
      %dma_start3A_181 = tpu.memref_slice %arg2[%dma_start3A_178, %dma_start3A_179, %dma_start3A_180] : memref<32768x8x128xf32, #tpu.memory_space<hbm>> -> memref<32768x8x128xf32, #tpu.memory_space<hbm>>
      tpu.enqueue_indirect_dma source(%dma_start3A_181 : memref<32768x8x128xf32, #tpu.memory_space<hbm>>) target(%arg9 : memref<56x8x128xf32, #tpu.memory_space<vmem>>) offsets(%dma_start3A_177 : memref<56xi32, #tpu.memory_space<vmem>>) semaphore(%arg11 : memref<!tpu.dma_semaphore, #tpu.memory_space<semaphore_mem>>)
      %mul3A_182 = arith.constant 2 : i32
      %mul3A_183 = arith.muli %mul3A_182, %scan3A_141 : i32
      %add3A_184 = arith.constant 2 : i32
      %add3A_185 = arith.addi %mul3A_183, %add3A_184 : i32
      %mul3A_186 = arith.constant 56 : i32
      %mul3A_187 = arith.muli %add3A_185, %mul3A_186 : i32
      %dma_wait3A_188 = tpu.memref_slice %arg8[%mul3A_187] : memref<1024xi32, #tpu.memory_space<vmem>> -> memref<56xi32, #tpu.memory_space<vmem>>
      %dma_wait3A_189 = arith.constant 0 : i32
      %dma_wait3A_190 = arith.constant 0 : i32
      %dma_wait3A_191 = arith.constant 0 : i32
      %dma_wait3A_192 = tpu.memref_slice %arg2[%dma_wait3A_189, %dma_wait3A_190, %dma_wait3A_191] : memref<32768x8x128xf32, #tpu.memory_space<hbm>> -> memref<32768x8x128xf32, #tpu.memory_space<hbm>>
      tpu.wait_indirect_dma semaphore(%arg11 : memref<!tpu.dma_semaphore, #tpu.memory_space<semaphore_mem>>) src(%dma_wait3A_192 : memref<32768x8x128xf32, #tpu.memory_space<hbm>>) dst(%arg9 : memref<56x8x128xf32, #tpu.memory_space<vmem>>)
      %mul3A_193 = arith.constant 56 : i32
      %mul3A_194 = arith.muli %add3A_185, %mul3A_193 : i32
      %add3A_195 = arith.addi %mul3A_18, %mul3A_194 : i32
      %dma_start3A_196 = arith.constant 0 : i32
      %dma_start3A_197 = arith.constant 0 : i32
      %dma_start3A_198 = tpu.memref_slice %arg5[%add3A_195, %dma_start3A_196, %dma_start3A_197] : memref<32768x8x128xf32, #tpu.memory_space<hbm>> -> memref<56x8x128xf32, #tpu.memory_space<hbm>>
      %dma_start3A_199 = arith.constant 0 : i32
      %dma_start3A_200 = arith.constant 0 : i32
      %dma_start3A_201 = tpu.memref_slice %arg5[%add3A_195, %dma_start3A_199, %dma_start3A_200] : memref<32768x8x128xf32, #tpu.memory_space<hbm>> -> memref<56x8x128xf32, #tpu.memory_space<hbm>>
      tpu.enqueue_dma source(%arg9 : memref<56x8x128xf32, #tpu.memory_space<vmem>>) target(%dma_start3A_201 : memref<56x8x128xf32, #tpu.memory_space<hbm>>) target_semaphore(%arg13 : memref<!tpu.dma_semaphore, #tpu.memory_space<semaphore_mem>>)
      %sub3A_202 = arith.constant 1 : i32
      %sub3A_203 = arith.subi %add3A_185, %sub3A_202 : i32
      %mul3A_204 = arith.constant 56 : i32
      %mul3A_205 = arith.muli %sub3A_203, %mul3A_204 : i32
      %add3A_206 = arith.addi %mul3A_18, %mul3A_205 : i32
      %dma_wait3A_207 = arith.constant 0 : i32
      %dma_wait3A_208 = arith.constant 0 : i32
      %dma_wait3A_209 = tpu.memref_slice %arg5[%add3A_206, %dma_wait3A_207, %dma_wait3A_208] : memref<32768x8x128xf32, #tpu.memory_space<hbm>> -> memref<56x8x128xf32, #tpu.memory_space<hbm>>
      %dma_wait3A_210 = arith.constant 0 : i32
      %dma_wait3A_211 = arith.constant 0 : i32
      %dma_wait3A_212 = tpu.memref_slice %arg5[%add3A_206, %dma_wait3A_210, %dma_wait3A_211] : memref<32768x8x128xf32, #tpu.memory_space<hbm>> -> memref<56x8x128xf32, #tpu.memory_space<hbm>>
      tpu.wait_dma2 semaphore(%arg14 : memref<!tpu.dma_semaphore, #tpu.memory_space<semaphore_mem>>) src(%arg10 : memref<56x8x128xf32, #tpu.memory_space<vmem>>) dst(%dma_wait3A_212 : memref<56x8x128xf32, #tpu.memory_space<hbm>>)
      %add3A_213 = arith.constant 1 : i32
      %add3A_214 = arith.addi %add3A_185, %add3A_213 : i32
      %mul3A_215 = arith.constant 56 : i32
      %mul3A_216 = arith.muli %add3A_214, %mul3A_215 : i32
      %dma_start3A_217 = tpu.memref_slice %arg8[%mul3A_216] : memref<1024xi32, #tpu.memory_space<vmem>> -> memref<56xi32, #tpu.memory_space<vmem>>
      %dma_start3A_218 = arith.constant 0 : i32
      %dma_start3A_219 = arith.constant 0 : i32
      %dma_start3A_220 = arith.constant 0 : i32
      %dma_start3A_221 = tpu.memref_slice %arg2[%dma_start3A_218, %dma_start3A_219, %dma_start3A_220] : memref<32768x8x128xf32, #tpu.memory_space<hbm>> -> memref<32768x8x128xf32, #tpu.memory_space<hbm>>
      tpu.enqueue_indirect_dma source(%dma_start3A_221 : memref<32768x8x128xf32, #tpu.memory_space<hbm>>) target(%arg10 : memref<56x8x128xf32, #tpu.memory_space<vmem>>) offsets(%dma_start3A_217 : memref<56xi32, #tpu.memory_space<vmem>>) semaphore(%arg12 : memref<!tpu.dma_semaphore, #tpu.memory_space<semaphore_mem>>)
    }
    %scan3A_58 = arith.constant 8 : i32
    %dma_wait3A_59 = arith.constant 952 : i32
    %dma_wait3A_60 = tpu.memref_slice %arg8[%dma_wait3A_59] : memref<1024xi32, #tpu.memory_space<vmem>> -> memref<56xi32, #tpu.memory_space<vmem>>
    %dma_wait3A_61 = arith.constant 0 : i32
    %dma_wait3A_62 = arith.constant 0 : i32
    %dma_wait3A_63 = arith.constant 0 : i32
    %dma_wait3A_64 = tpu.memref_slice %arg2[%dma_wait3A_61, %dma_wait3A_62, %dma_wait3A_63] : memref<32768x8x128xf32, #tpu.memory_space<hbm>> -> memref<32768x8x128xf32, #tpu.memory_space<hbm>>
    tpu.wait_indirect_dma semaphore(%arg12 : memref<!tpu.dma_semaphore, #tpu.memory_space<semaphore_mem>>) src(%dma_wait3A_64 : memref<32768x8x128xf32, #tpu.memory_space<hbm>>) dst(%arg10 : memref<56x8x128xf32, #tpu.memory_space<vmem>>)
    %add3A_65 = arith.constant 952 : i32
    %add3A_66 = arith.addi %mul3A_18, %add3A_65 : i32
    %dma_start3A_67 = arith.constant 0 : i32
    %dma_start3A_68 = arith.constant 0 : i32
    %dma_start3A_69 = tpu.memref_slice %arg5[%add3A_66, %dma_start3A_67, %dma_start3A_68] : memref<32768x8x128xf32, #tpu.memory_space<hbm>> -> memref<56x8x128xf32, #tpu.memory_space<hbm>>
    %dma_start3A_70 = arith.constant 0 : i32
    %dma_start3A_71 = arith.constant 0 : i32
    %dma_start3A_72 = tpu.memref_slice %arg5[%add3A_66, %dma_start3A_70, %dma_start3A_71] : memref<32768x8x128xf32, #tpu.memory_space<hbm>> -> memref<56x8x128xf32, #tpu.memory_space<hbm>>
    tpu.enqueue_dma source(%arg10 : memref<56x8x128xf32, #tpu.memory_space<vmem>>) target(%dma_start3A_72 : memref<56x8x128xf32, #tpu.memory_space<hbm>>) target_semaphore(%arg14 : memref<!tpu.dma_semaphore, #tpu.memory_space<semaphore_mem>>)
    %add3A_73 = arith.constant 896 : i32
    %add3A_74 = arith.addi %mul3A_18, %add3A_73 : i32
    %dma_wait3A_75 = arith.constant 0 : i32
    %dma_wait3A_76 = arith.constant 0 : i32
    %dma_wait3A_77 = tpu.memref_slice %arg5[%add3A_74, %dma_wait3A_75, %dma_wait3A_76] : memref<32768x8x128xf32, #tpu.memory_space<hbm>> -> memref<56x8x128xf32, #tpu.memory_space<hbm>>
    %dma_wait3A_78 = arith.constant 0 : i32
    %dma_wait3A_79 = arith.constant 0 : i32
    %dma_wait3A_80 = tpu.memref_slice %arg5[%add3A_74, %dma_wait3A_78, %dma_wait3A_79] : memref<32768x8x128xf32, #tpu.memory_space<hbm>> -> memref<56x8x128xf32, #tpu.memory_space<hbm>>
    tpu.wait_dma2 semaphore(%arg13 : memref<!tpu.dma_semaphore, #tpu.memory_space<semaphore_mem>>) src(%arg9 : memref<56x8x128xf32, #tpu.memory_space<vmem>>) dst(%dma_wait3A_80 : memref<56x8x128xf32, #tpu.memory_space<hbm>>)
    %dma_start3A_81 = arith.constant 0 : i32
    %dma_start3A_82 = arith.constant 0 : i32
    %dma_start3A_83 = arith.constant 0 : i32
    %dma_start3A_84 = tpu.memref_slice %arg9[%dma_start3A_81, %dma_start3A_82, %dma_start3A_83] : memref<56x8x128xf32, #tpu.memory_space<vmem>> -> memref<16x8x128xf32, #tpu.memory_space<vmem>>
    %dma_start3A_85 = arith.constant 1008 : i32
    %dma_start3A_86 = tpu.memref_slice %arg8[%dma_start3A_85] : memref<1024xi32, #tpu.memory_space<vmem>> -> memref<16xi32, #tpu.memory_space<vmem>>
    %dma_start3A_87 = arith.constant 0 : i32
    %dma_start3A_88 = arith.constant 0 : i32
    %dma_start3A_89 = arith.constant 0 : i32
    %dma_start3A_90 = tpu.memref_slice %arg2[%dma_start3A_87, %dma_start3A_88, %dma_start3A_89] : memref<32768x8x128xf32, #tpu.memory_space<hbm>> -> memref<32768x8x128xf32, #tpu.memory_space<hbm>>
    tpu.enqueue_indirect_dma source(%dma_start3A_90 : memref<32768x8x128xf32, #tpu.memory_space<hbm>>) target(%dma_start3A_84 : memref<16x8x128xf32, #tpu.memory_space<vmem>>) offsets(%dma_start3A_86 : memref<16xi32, #tpu.memory_space<vmem>>) semaphore(%arg11 : memref<!tpu.dma_semaphore, #tpu.memory_space<semaphore_mem>>)
    %dma_wait3A_91 = arith.constant 0 : i32
    %dma_wait3A_92 = arith.constant 0 : i32
    %dma_wait3A_93 = arith.constant 0 : i32
    %dma_wait3A_94 = tpu.memref_slice %arg9[%dma_wait3A_91, %dma_wait3A_92, %dma_wait3A_93] : memref<56x8x128xf32, #tpu.memory_space<vmem>> -> memref<16x8x128xf32, #tpu.memory_space<vmem>>
    %dma_wait3A_95 = arith.constant 1008 : i32
    %dma_wait3A_96 = tpu.memref_slice %arg8[%dma_wait3A_95] : memref<1024xi32, #tpu.memory_space<vmem>> -> memref<16xi32, #tpu.memory_space<vmem>>
    %dma_wait3A_97 = arith.constant 0 : i32
    %dma_wait3A_98 = arith.constant 0 : i32
    %dma_wait3A_99 = arith.constant 0 : i32
    %dma_wait3A_100 = tpu.memref_slice %arg2[%dma_wait3A_97, %dma_wait3A_98, %dma_wait3A_99] : memref<32768x8x128xf32, #tpu.memory_space<hbm>> -> memref<32768x8x128xf32, #tpu.memory_space<hbm>>
    tpu.wait_indirect_dma semaphore(%arg11 : memref<!tpu.dma_semaphore, #tpu.memory_space<semaphore_mem>>) src(%dma_wait3A_100 : memref<32768x8x128xf32, #tpu.memory_space<hbm>>) dst(%dma_wait3A_94 : memref<16x8x128xf32, #tpu.memory_space<vmem>>)
    %add3A_101 = arith.constant 1008 : i32
    %add3A_102 = arith.addi %mul3A_18, %add3A_101 : i32
    %dma_start3A_103 = arith.constant 0 : i32
    %dma_start3A_104 = arith.constant 0 : i32
    %dma_start3A_105 = arith.constant 0 : i32
    %dma_start3A_106 = tpu.memref_slice %arg9[%dma_start3A_103, %dma_start3A_104, %dma_start3A_105] : memref<56x8x128xf32, #tpu.memory_space<vmem>> -> memref<16x8x128xf32, #tpu.memory_space<vmem>>
    %dma_start3A_107 = arith.constant 0 : i32
    %dma_start3A_108 = arith.constant 0 : i32
    %dma_start3A_109 = tpu.memref_slice %arg5[%add3A_102, %dma_start3A_107, %dma_start3A_108] : memref<32768x8x128xf32, #tpu.memory_space<hbm>> -> memref<16x8x128xf32, #tpu.memory_space<hbm>>
    %dma_start3A_110 = arith.constant 0 : i32
    %dma_start3A_111 = arith.constant 0 : i32
    %dma_start3A_112 = tpu.memref_slice %arg5[%add3A_102, %dma_start3A_110, %dma_start3A_111] : memref<32768x8x128xf32, #tpu.memory_space<hbm>> -> memref<16x8x128xf32, #tpu.memory_space<hbm>>
    %dma_start3A_113 = arith.constant 0 : i32
    %dma_start3A_114 = arith.constant 0 : i32
    %dma_start3A_115 = arith.constant 0 : i32
    %dma_start3A_116 = tpu.memref_slice %arg9[%dma_start3A_113, %dma_start3A_114, %dma_start3A_115] : memref<56x8x128xf32, #tpu.memory_space<vmem>> -> memref<16x8x128xf32, #tpu.memory_space<vmem>>
    tpu.enqueue_dma source(%dma_start3A_116 : memref<16x8x128xf32, #tpu.memory_space<vmem>>) target(%dma_start3A_112 : memref<16x8x128xf32, #tpu.memory_space<hbm>>) target_semaphore(%arg13 : memref<!tpu.dma_semaphore, #tpu.memory_space<semaphore_mem>>)
    %add3A_117 = arith.constant 952 : i32
    %add3A_118 = arith.addi %mul3A_18, %add3A_117 : i32
    %dma_wait3A_119 = arith.constant 0 : i32
    %dma_wait3A_120 = arith.constant 0 : i32
    %dma_wait3A_121 = tpu.memref_slice %arg5[%add3A_118, %dma_wait3A_119, %dma_wait3A_120] : memref<32768x8x128xf32, #tpu.memory_space<hbm>> -> memref<56x8x128xf32, #tpu.memory_space<hbm>>
    %dma_wait3A_122 = arith.constant 0 : i32
    %dma_wait3A_123 = arith.constant 0 : i32
    %dma_wait3A_124 = tpu.memref_slice %arg5[%add3A_118, %dma_wait3A_122, %dma_wait3A_123] : memref<32768x8x128xf32, #tpu.memory_space<hbm>> -> memref<56x8x128xf32, #tpu.memory_space<hbm>>
    tpu.wait_dma2 semaphore(%arg14 : memref<!tpu.dma_semaphore, #tpu.memory_space<semaphore_mem>>) src(%arg10 : memref<56x8x128xf32, #tpu.memory_space<vmem>>) dst(%dma_wait3A_124 : memref<56x8x128xf32, #tpu.memory_space<hbm>>)
    %add3A_125 = arith.constant 1008 : i32
    %add3A_126 = arith.addi %mul3A_18, %add3A_125 : i32
    %dma_wait3A_127 = arith.constant 0 : i32
    %dma_wait3A_128 = arith.constant 0 : i32
    %dma_wait3A_129 = arith.constant 0 : i32
    %dma_wait3A_130 = tpu.memref_slice %arg9[%dma_wait3A_127, %dma_wait3A_128, %dma_wait3A_129] : memref<56x8x128xf32, #tpu.memory_space<vmem>> -> memref<16x8x128xf32, #tpu.memory_space<vmem>>
    %dma_wait3A_131 = arith.constant 0 : i32
    %dma_wait3A_132 = arith.constant 0 : i32
    %dma_wait3A_133 = tpu.memref_slice %arg5[%add3A_126, %dma_wait3A_131, %dma_wait3A_132] : memref<32768x8x128xf32, #tpu.memory_space<hbm>> -> memref<16x8x128xf32, #tpu.memory_space<hbm>>
    %dma_wait3A_134 = arith.constant 0 : i32
    %dma_wait3A_135 = arith.constant 0 : i32
    %dma_wait3A_136 = tpu.memref_slice %arg5[%add3A_126, %dma_wait3A_134, %dma_wait3A_135] : memref<32768x8x128xf32, #tpu.memory_space<hbm>> -> memref<16x8x128xf32, #tpu.memory_space<hbm>>
    %dma_wait3A_137 = arith.constant 0 : i32
    %dma_wait3A_138 = arith.constant 0 : i32
    %dma_wait3A_139 = arith.constant 0 : i32
    %dma_wait3A_140 = tpu.memref_slice %arg9[%dma_wait3A_137, %dma_wait3A_138, %dma_wait3A_139] : memref<56x8x128xf32, #tpu.memory_space<vmem>> -> memref<16x8x128xf32, #tpu.memory_space<vmem>>
    tpu.wait_dma2 semaphore(%arg13 : memref<!tpu.dma_semaphore, #tpu.memory_space<semaphore_mem>>) src(%dma_wait3A_140 : memref<16x8x128xf32, #tpu.memory_space<vmem>>) dst(%dma_wait3A_136 : memref<16x8x128xf32, #tpu.memory_space<hbm>>)
    return
  }
}

</mosaic_0001>

<sc_bundles>
// kernel: kernel.3.cloned.1.call-start
scs
__scs_entry_jumppad:
0x0: {  	(pc) =	sbr.rel $0x88, $3  }
0x1: {  	(tag) =	ssettag $0x0;
	lr =	simm.s32 $0x1  }
0x2: {  	[smem:$0x3F9E] =	sst lr;
	_ =	strace $0xD0000000  }
0x3: {  	_ = 	snop  }
0x4: {  	_ = 	snop  }
0x5: {  	_ = 	snop  }
0x6: {  	_ = 	snop  }
0x7: {  	_ = 	snop  }
__scs_overlays_trampoline_lowered:
0x8: {  	[smem:$0x3FAD] =	sst s0  }
0x9: {  	[smem:$0x3FAE] =	sst s1  }
0xa: {  	[smem:$0x3FAF] =	sst s2  }
0xb: {  	[smem:$0x3FB0] =	sst s3  }
0xc: {  	[smem:$0x3FB1] =	sst s4  }
0xd: {  	[smem:$0x3FB2] =	sst s5  }
0xe: {  	[smem:$0x3FB3] =	sst s6  }
0xf: {  	[smem:$0x3FB4] =	sst s7  }
0x10: {  	[smem:$0x3FB5] =	sst s8  }
0x11: {  	[smem:$0x3FB6] =	sst s9;
	s0 =	simm.s32 @!p0 $0x0  }
0x12: {  	s1 =	sld [smem:$0x3F9C];
	s0 =	simm.s32 @p0 $0x1  }
0x13: {  	[smem:$0x3FB7] =	sst s0;
	s0 =	simm.s32 @!p1 $0x0  }
0x14: {  	s2 =	sld [smem:$0x3F9B];
	s0 =	simm.s32 @p1 $0x1  }
0x15: {  	[smem:$0x3FB8] =	sst s0;
	s0 =	simm.s32 @!p2 $0x0  }
0x16: {  	s3 =	sld [smem:$0x3FDB];
	s0 =	simm.s32 @p2 $0x1  }
0x17: {  	s4 =	simm.s32 $0x1BF5;
	[smem:$0x3FBA] =	sst s0  }
0x18: {  	s0 =	sld [smem:$0x3F9D];
	_ =	swait.ge [sflag:s4], $0x0  }
0x19: {  	s7 =	sld [smem:$0x3F9E]  }
0x1a: {  	s8 =	sadd.s32 $0xFFFFE003, lr  }
0x1b: {  	s9 =	sadd.s32 $0xFFFFFEF7, lr;
	s5 =	simm.s32 $0xFFFFFFFF;
	p2 =	slt.u32 s8, $0xFFFFF086  }
0x1c: {  	p1 =	slt.u32 s9, $0xF7A;
	s5 =	simm.s32 @!p2 $0x0  }
0x1d: {  	s5 =	simm.s32 @p1 $0x1;
	p0 =	seq.s32 s7, s2  }
0x1e: {  	s7 =	smul.u32 @!p0 $0xF7A, s2;
	p2 =	seq.s32 @!p0 s5, $0x0  }
0x1f: {  	s9 =	smul.u32 $0xF7A, s1;
	s8 =	simm.s32 @!p0 $0x1BF5;
	p2 =	por !p2, p0  }
0x20: {  	[sflag:s8] =	ssyncset.s32 @!p0 $0xFFFFF086;
	s6 =	sadd.s32 @!p0 s3, s7;
	s7 =	simm.s32 @!p0 $0x108  }
0x21: {  	s3 =	sadd.s32 s3, s9;
	s6 =	sadd.s32 @!p0 $0x88, s6;
	s7 =	simm.s32 @p2 $0x1082  }
0x22: {  	[simem:s7], [sflag:s8] =	dma.local @!p0 [hbm:s6], $0xF7A  }
0x23: {  	s9 =	sor.u32 $0xD0000000, s2;
	s6 =	simm.s32 $0x108;
	_ =	swait.ge @!p0 [sflag:s8], $0x0  }
0x24: {  	s3 =	sadd.s32 $0x88, s3;
	s6 =	simm.s32 @!p1 $0x1082;
	[sflag:s4] =	ssyncset.s32 $0xFFFFF086  }
0x25: {  	[simem:s6], [sflag:s4] =	dma.local [hbm:s3], $0xF7A  }
0x26: {  	[smem:$0x3F9E] =	sst s1;
	(tag) =	ssettag s2;
	_ =	strace s9  }
0x27: {  	s1 =	sld [smem:$0x3FAE]  }
0x28: {  	s2 =	sld [smem:$0x3FAF]  }
0x29: {  	s4 =	sld [smem:$0x3FB1]  }
0x2a: {  	p0 =	seq.s32 s5, $0x0;
	s5 =	sld [smem:$0x3FB2]  }
0x2b: {  	s6 =	sld [smem:$0x3FB3]  }
0x2c: {  	s7 =	sld [smem:$0x3FB4]  }
0x2d: {  	s3 =	simm.s32 $0x108;
	s8 =	sld [smem:$0x3FB5]  }
0x2e: {  	s3 =	simm.s32 @!p0 $0x1082;
	s9 =	sld [smem:$0x3FB6]  }
0x2f: {  	lr =	sadd.s32 s0, s3;
	s0 =	sld [smem:$0x3FAD]  }
0x30: {  	s3 =	sld [smem:$0x3FB0]  }
0x31: {  	[smem:$0x3FB9] =	sst s10  }
0x32: {  	s10 =	sld [smem:$0x3FB7];
	_ =	sdelay $0x3  }
0x33: {  	p0 =	seq.s32 s10, $0x1;
	s10 =	sld [smem:$0x3FB9];
	_ =	sdelay $0x3  }
0x34: {  	[smem:$0x3FB9] =	sst s10  }
0x35: {  	s10 =	sld [smem:$0x3FB8];
	_ =	sdelay $0x3  }
0x36: {  	p1 =	seq.s32 s10, $0x1;
	s10 =	sld [smem:$0x3FB9];
	_ =	sdelay $0x3  }
0x37: {  	[smem:$0x3FB9] =	sst s10  }
0x38: {  	s10 =	sld [smem:$0x3FBA]  }
0x39: {  	_ = 	snop;
	(pc) =	sbr.ind lr, $3  }
0x3a: {  	_ = 	snop  }
0x3b: {  	_ = 	snop  }
0x3c: {  	p2 =	seq.s32 s10, $0x1;
	s10 =	sld [smem:$0x3FB9]  }
0x3d: {  	_ =	shalt  }
0x3e: {  	_ =	shalt  }
0x3f: {  	_ =	shalt  }
0x40: {  	_ =	shalt  }
0x41: {  	_ =	shalt  }
0x42: {  	_ =	shalt  }
0x43: {  	_ =	shalt  }
0x44: {  	_ =	shalt  }
0x45: {  	_ =	shalt  }
0x46: {  	_ =	shalt  }
0x47: {  	_ =	shalt  }
0x48: {  	_ =	shalt  }
0x49: {  	_ =	shalt  }
0x4a: {  	_ =	shalt  }
0x4b: {  	_ =	shalt  }
0x4c: {  	_ =	shalt  }
0x4d: {  	_ =	shalt  }
0x4e: {  	_ =	shalt  }
0x4f: {  	_ =	shalt  }
0x50: {  	_ =	shalt  }
0x51: {  	_ =	shalt  }
0x52: {  	_ =	shalt  }
0x53: {  	_ =	shalt  }
0x54: {  	_ =	shalt  }
0x55: {  	_ =	shalt  }
0x56: {  	_ =	shalt  }
0x57: {  	_ =	shalt  }
0x58: {  	_ =	shalt  }
0x59: {  	_ =	shalt  }
0x5a: {  	_ =	shalt  }
0x5b: {  	_ =	shalt  }
0x5c: {  	_ =	shalt  }
0x5d: {  	_ =	shalt  }
0x5e: {  	_ =	shalt  }
0x5f: {  	_ =	shalt  }
0x60: {  	_ =	shalt  }
0x61: {  	_ =	shalt  }
0x62: {  	_ =	shalt  }
0x63: {  	_ =	shalt  }
0x64: {  	_ =	shalt  }
0x65: {  	_ =	shalt  }
0x66: {  	_ =	shalt  }
0x67: {  	_ =	shalt  }
0x68: {  	_ =	shalt  }
0x69: {  	_ =	shalt  }
0x6a: {  	_ =	shalt  }
0x6b: {  	_ =	shalt  }
0x6c: {  	_ =	shalt  }
0x6d: {  	_ =	shalt  }
0x6e: {  	_ =	shalt  }
0x6f: {  	_ =	shalt  }
0x70: {  	_ =	shalt  }
0x71: {  	_ =	shalt  }
0x72: {  	_ =	shalt  }
0x73: {  	_ =	shalt  }
0x74: {  	_ =	shalt  }
0x75: {  	_ =	shalt  }
0x76: {  	_ =	shalt  }
0x77: {  	_ =	shalt  }
0x78: {  	_ =	shalt  }
0x79: {  	_ =	shalt  }
0x7a: {  	_ =	shalt  }
0x7b: {  	_ =	shalt  }
0x7c: {  	_ =	shalt  }
0x7d: {  	_ =	shalt  }
0x7e: {  	_ =	shalt  }
0x7f: {  	_ =	shalt  }
0x80: {  	_ =	shalt  }
0x81: {  	_ =	shalt  }
0x82: {  	_ =	shalt  }
0x83: {  	_ =	shalt  }
0x84: {  	_ =	shalt  }
0x85: {  	_ =	shalt  }
0x86: {  	_ =	shalt  }
0x87: {  	_ =	shalt  }
.Lfunc_end0:
.L_simem_size_0:
called_computation_lowered:
.L_overlay_start_0:
0x88: {  	s2 =	sld [smem:$0x3FD9]  }
0x89: {  	s3 =	sld [smem:$0x3FFE];
	_ =	sdelay $0x1  }
0x8a: {  	s1 =	srdreg.scid  }
0x8b: {  	s0 =	sand.u32 $0x1, s1  }
0x8c: {  	s18 =	sshll.u32 s0, $0xA;
	s2 =	sadd.s32 s3, s2  }
0x8d: {  	s2 =	sadd.s32 s2, s18  }
0x8e: {  	[smem:$0x3FC5] =	sst s2  }
0x8f: {  	_ = 	snop  }
0x90: {  	s2 =	sld [smem:$0x3FC9]  }
0x91: {  	s19 =	sld [smem:$0x3FC8]  }
0x92: {  	s4 =	sld [smem:$0x3FC7]  }
0x93: {  	s5 =	sld [smem:$0x3FD0];
	(tm) =	ssettm $0x1  }
0x94: {  	s6 =	sld [smem:$0x3FFB];
	_ =	sdelay $0x3  }
0x95: {  	_ =	strace s6  }
0x96: {  	s6 =	sld [smem:$0x3FFC];
	_ =	sdelay $0x3  }
0x97: {  	_ =	strace s6  }
0x98: {  	s6 =	sld [smem:$0x3FFD];
	_ =	sdelay $0x3  }
0x99: {  	_ =	strace s6  }
0x9a: {  	_ =	strace $0x8FFFFFFF  }
0x9b: {  	s20 =	sld [smem:$0x3FDB];
	_ =	sdelay $0x1  }
0x9c: {  	s7 =	simm.s32 $_scs_section_size  }
0x9d: {  	s8 =	simm.s32 $_size__tile_overlayer_lowered;
	s9 =	simm.s32 $_tile_overlayer_lowered  }
0x9e: {  	s23 =	simm.s32 $0x1BFF;
	s22 =	sshll.u32 s9, $0x1;
	s6 =	sadd.s32 s7, s20  }
0x9f: {  	s10 =	simm.s32 $0x0;
	s21 =	sshll.u32 s8, $0x1;
	s8 =	sadd.s32 s22, s6  }
0xa0: {  	[timem:s10], [sflag:s23] =	dma.local [hbm:s8], s21  }
0xa1: {  	_ =	swait.ge [sflag:s23], s21  }
0xa2: {  	s7 =	ssub.s32 $0x0, s21;
	[sflag:s23] =	ssyncset.done $0x0  }
0xa3: {  	[sflag:s23] =	ssyncadd.s32 s7;
	_ =	sdelay $0x1  }
0xa4: {  	s24 =	simm.s32 $0x1B8B  }
0xa5: {  	_ =	swait.ge [sflag:s24], $0x1  }
0xa6: {  	[sflag:s24] =	ssyncset.done $0x0  }
0xa7: {  	s25 =	simm.s32 $0x1B8E;
	[sflag:s24] =	ssyncadd.s32 $0xFFFFFFFF  }
0xa8: {  	s26 =	simm.s32 $execute0_lowered;
	[smem:$0x3FD2] =	sst s25  }
0xa9: {  	s7 =	sshll.u32 s26, $0x1;
	_ =	strace $0x80000046;
	[dreg:$0x1] =	wrdreg $0xFFFFFFFF  }
0xaa: {  	s28 =	simm.s32 $_size_execute0_lowered;
	s6 =	sadd.s32 s6, s7;
	[dreg:$0x0] =	wrdreg $0x0  }
0xab: {  	s7 =	sshll.u32 s28, $0x1;
	[dreg:$0x2] =	wrdreg s6  }
0xac: {  	[dreg:$0x3] =	wrdreg s7  }
0xad: {  	[dreg:$0x4] =	wrdreg $0xC0  }
0xae: {  	_ =	task [dreg:s10], $0x5FFFF  }
0xaf: {  	[dreg:$0x1] =	wrdreg $0xFFFFFFFF  }
0xb0: {  	[dreg:$0x0] =	wrdreg $0x60  }
0xb1: {  	[dreg:$0x2] =	wrdreg s2  }
0xb2: {  	[dreg:$0x3] =	wrdreg s19  }
0xb3: {  	[dreg:$0x4] =	wrdreg s4  }
0xb4: {  	[dreg:$0x5] =	wrdreg s5  }
0xb5: {  	[dreg:$0x6] =	wrdreg $0x9  }
0xb6: {  	_ =	task.clear_ibuf [dreg:s10], $0x7FFFF;
	_ =	strace $0x90000046  }
0xb7: {  	s29 =	simm.s32 $0x9;
	_ =	strace $0x80000048  }
0xb8: {  	_ =	swait.ge [sflag:s29], $0x1  }
0xb9: {  	[sflag:s29] =	ssyncadd.s32 $0xFFFFFFFF  }
0xba: {  	_ =	strace $0x90000048  }
0xbb: {  	_ =	sfence  }
0xbc: {  	s30 =	sld [smem:$0x0];
	_ =	sdelay $0x2  }
0xbd: {  	s31 =	sshll.u32 s1, $0xD;
	s1 =	sshrl.u32 s1, $0x2  }
0xbe: {  	s3 =	sand.u32 $0x4000, s31;
	s1 =	sadd.s32 s1, s30  }
0xbf: {  	s0 =	sor.u32 s3, s0;
	s1 =	sshll.u32 s1, $0x11  }
0xc0: {  	s0 =	sor.u32 s1, s0  }
0xc1: {  	s0 =	sadd.s32 $0x8F2B, s0  }
0xc2: {  	[sflag:s0] =	ssyncadd.remote.s32 $0x1  }
0xc3: {  	_ =	sfence.sel $0xFFFF  }
0xc4: {  	[dreg:$0x0] =	wrdreg $0xFFFFFFFF;
	(pc) =	sbr.abs _section_cstart, $3  }
0xc5: {  	[dreg:$0x1] =	wrdreg $0xFFFFFFFF  }
0xc6: {  	_ =	task.clear_ibuf [dreg:s10], $0x2FFFF;
	_ =	strace $0x9FFFFFFF  }
0xc7: {  	(tm) =	ssettm $0x7FFFFFFF  }
tec
execute0_lowered:
.L_overlay_start_1:
0x0: {  	(tag) =	ssettag $0x1  }
0x1: {  	s1 =	rddreg [dreg:$0x0]  }
0x2: {  	s2 =	rddreg [dreg:$0x1]  }
0x3: {  	s4 =	rddreg [dreg:$0x2]  }
0x4: {  	s3 =	srdreg.scid;
	s0 =	stileid.u32  }
0x5: {  	s12 =	rddreg [dreg:$0x3];
	s9 =	simm.s32 $0x1;
	s14 =	simm.s32 $0x5  }
0x6: {  	s15 =	simm.s32 $0x80;
	s16 =	simm.s32 $0x38;
	s17 =	simm.s32 $0x100  }
0x7: {  	s18 =	simm.s32 $0x500;
	s19 =	simm.s32 $0x138;
	s20 =	simm.s32 $0xE500  }
0x8: {  	s22 =	simm.s32 $0x3;
	s23 =	simm.s32 $0x4;
	s26 =	simm.s32 $0x0  }
0x9: {  	s7 =	sand.u32 $0x1, s3;
	s5 =	sshll.u32 s0, $0x1;
	s30 =	sshll.u32 s0, $0xB  }
0xa: {  	s8 =	sor.u32 s7, s5;
	s5 =	simm.s32 $0x0;
	p1 =	seq.s32 s7, $0x1  }
0xb: {  	s6 =	ssub.s32 $0x2, s7;
	s31 =	sshll.u32 s7, $0xA;
	p0 =	seq.s32 s8, $0x0  }
0xc: {  	[smem:$0x7FF] =	sst s5;
	s10 =	sshrl.u32 s6, $0x1;
	s8 =	sshll.u32 s8, $0x11  }
0xd: {  	p0 =	por !p0, !p1;
	_ =	strace $0x80000047;
	s11 =	ssub.s32 s6, s10  }
0xe: {  	s6 =	simm.s32 $0x1;
	s7 =	sadd.s32 s12, s8;
	s8 =	sor.u32 s31, s30  }
0xf: {  	p0 =	por !p0, !p0;
	s13 =	sshll.u32 s8, $0x7;
	s10 =	sadd.s32 $0x1F800, s7  }
0x10: {  	s11 =	smax.u32 s11, $0x1;
	s9 =	simm.s32 @!p0 $0x0;
	s13 =	sadd.s32 s13, s12  }
0x11: {  	s21 =	ssub.s32 s0, s9;
	s9 =	sadd.s32 $0x1DC00, s7;
	s12 =	sadd.s32 $0x1C00, s13  }
0x12: {  	v3 =	vlaneseq.u32;
	s13 =	sadd.s32 $0x3800, s13;
	s24 =	sshll.u32 s21, $0x6;
	s25 =	sshll.u32 s21, $0xB  }
0x13: {  	v0 =	vmov s21;
	s21 =	simm.s32 $0x2;
	v1 =	vmov s24;
	v2 =	vmov s25;
	s24 =	simm.s32 $0x10;
	s25 =	simm.s32 $0x4F0  }
.LBB2_1:
0x14: {  	[tilespmem:s5], [sflag:$0x5] =	stream.linear.gather [hbm4b:s2+s5], $0x80, $0x38;
	[tilespmem:$0x1C500] =	vst v63  }
0x15: {  	_ =	swait.ge [sflag:s14], $0x80  }
0x16: {  	[sflag:s14] =	ssyncset.done $0x0  }
0x17: {  	[sflag:s14] =	ssyncadd.s32 $0xFFFFFF80  }
0x18: {  	[tilespmem:s15], [sflag:$0x5] =	stream.linear.gather [hbm4b:s4+s5], $0x80, $0x38;
	[tilespmem:$0x1C500] =	vst v63  }
0x19: {  	_ =	swait.ge [sflag:s14], $0x80  }
0x1a: {  	[sflag:s14] =	ssyncset.done $0x0  }
0x1b: {  	[sflag:s14] =	ssyncadd.s32 $0xFFFFFF80  }
0x1c: {  	v5 =	vld.idx.msk [tilespmem:v0+s5+$0x0], $0xffff  }
0x1d: {  	v6 =	vld.idx.msk [tilespmem:v0+s15+$0x0], $0xffff  }
0x1e: {  	v4 =	vmov s8  }
0x1f: {  	v7 =	vshrl.u32 v4, $0x5  }
0x20: {  	v7 =	vsub.s32 v7, v1  }
0x21: {  	v8 =	vshll.u32 v7, $0x4  }
0x22: {  	v8 =	vor.u32 v3, v8;
	v7 =	vsub.s32 v6, v5  }
0x23: {  	s29 =	sadd.s32 $0x10, s8;
	vm0 =	vgt.s32 v8, $0x3;
	vm1 =	vlt.s32 v8, v7  }
0x24: {  	v6 =	vmov s29;
	vm0 =	vmand vm0, vm1  }
0x25: {  	s28 =	simm.s32 $0x40;
	v9 =	vshrl.u32 v6, $0x5;
	v10 =	vnsel vm0, $0x0, v5  }
0x26: {  	s30 =	simm.s32 $0x80;
	s31 =	sadd.s32 $0x10, s29;
	s29 =	simm.s32 $0x0;
	v9 =	vsub.s32 v9, v1;
	v8 =	vadd.s32 v8, v10  }
.LBB2_2:
0x27: {  	v10 =	vmov s31;
	v9 =	vshll.u32 v9, $0x4;
	v11 =	vshll.u32 v8, $0x1;
	s3 =	smov.u32 s30;
	p0 =	sne.s32 s30, $0xFC0  }
.Ltmp0:
0x28: {  	v12 =	vor.u32 v3, v9;
	v9 =	vand.u32 $0xFFFFFFE0, v11;
	v11 =	vand.u32 $0x10, v4;
	v4 =	vmovc v6;
	v6 =	vmovc v10;
	(pc) =	sbr.rel @p0 .LBB2_2-.Ltmp0, $4  }
0x29: {  	vm0 =	vgt.s32 v12, $0x3;
	vm1 =	vlt.s32 v12, v7;
	v9 =	vadd.s32 v2, v9  }
0x2a: {  	s30 =	sadd.s32 $0x40, s30;
	v8 =	vand.u32 $0xF, v8;
	vm0 =	vmand vm0, vm1;
	v9 =	vor.u32 v11, v9  }
0x2b: {  	s0 =	sshra.s32 s29, $0x2;
	s29 =	smov.u32 s28;
	s28 =	smov.u32 s3;
	v10 =	vshrl.u32 v6, $0x5;
	v11 =	vnsel vm0, $0x0, v5;
	v13 =	vor.u32 v8, v9  }
0x2c: {  	s31 =	sadd.s32 $0x10, s31;
	v9 =	vsub.s32 v10, v1;
	v8 =	vadd.s32 v12, v11;
	[tilespmem:s0+$0x100] =	vst v13  }
0x2d: {  	v9 =	vshll.u32 v9, $0x4  }
0x2e: {  	v9 =	vor.u32 v3, v9  }
0x2f: {  	vm0 =	vgt.s32 v9, $0x3;
	vm1 =	vlt.s32 v9, v7  }
0x30: {  	vm0 =	vmand vm0, vm1  }
0x31: {  	v5 =	vnsel vm0, $0x0, v5  }
0x32: {  	v61 =	vshll.u32 v8, $0x1;
	v5 =	vadd.s32 v9, v5  }
0x33: {  	v4 =	vand.u32 $0x10, v4;
	v7 =	vand.u32 $0xFFFFFFE0, v61;
	v9 =	vshll.u32 v5, $0x1  }
0x34: {  	v63 =	vand.u32 $0xF, v8;
	v7 =	vadd.s32 v2, v7;
	v62 =	vand.u32 $0xFFFFFFE0, v9  }
0x35: {  	v6 =	vand.u32 $0x10, v6;
	v4 =	vor.u32 v4, v7;
	v7 =	vadd.s32 v2, v62  }
0x36: {  	s0 =	sshra.s32 s29, $0x2;
	v4 =	vor.u32 v63, v4;
	v5 =	vand.u32 $0xF, v5;
	v6 =	vor.u32 v6, v7  }
0x37: {  	s31 =	sshra.s32 s28, $0x2;
	[tilespmem:s0+$0x100] =	vst v4;
	v4 =	vor.u32 v5, v6  }
0x38: {  	[tilespmem:s31+$0x100] =	vst v4  }
0x39: {  	[tilespmem:s18], [sflag:$0x1] =	stream.indirect.gather [hbm4b:s1+s16], $0x400, s17, s16, $0xb8;
	[tilespmem:$0x1C500] =	vst v63  }
0x3a: {  	_ =	swait.ge [sflag:s6], $0xE000  }
0x3b: {  	[sflag:s6] =	ssyncset.done $0x0  }
0x3c: {  	s3 =	simm.s32 $0x0;
	[sflag:s6] =	ssyncadd.s32 $0xFFFF2000  }
0x3d: {  	[hbm4b:s7+s3] =	stream.linear.scatter [tilespmem:s18], [sflag:$0x3], $0xE000, $0x38;
	[tilespmem:$0x1C500] =	vst v63  }
0x3e: {  	_ = 	snop  }
0x3f: {  	[tilespmem:s20], [sflag:$0x2] =	stream.indirect.gather [hbm4b:s1+s16], $0x400, s19, s16, $0xb8;
	[tilespmem:$0x1C500] =	vst v63  }
0x40: {  	_ =	swait.ge [sflag:s21], $0xE000  }
0x41: {  	[sflag:s21] =	ssyncset.done $0x0  }
0x42: {  	s31 =	sadd.s32 $0x0, s12;
	[sflag:s21] =	ssyncadd.s32 $0xFFFF2000  }
0x43: {  	[hbm4b:s31+s5] =	stream.linear.scatter [tilespmem:s20], [sflag:$0x4], $0xE000, $0x38;
	[tilespmem:$0x1C500] =	vst v63  }
0x44: {  	_ =	swait.ge [sflag:s22], $0xE000  }
0x45: {  	[sflag:s22] =	ssyncset.done $0x0  }
0x46: {  	s3 =	simm.s32 $0x170;
	[sflag:s22] =	ssyncadd.s32 $0xFFFF2000  }
0x47: {  	[tilespmem:s18], [sflag:$0x1] =	stream.indirect.gather [hbm4b:s1+s16], $0x400, s3, s16, $0xb8;
	[tilespmem:$0x1C500] =	vst v63  }
0x48: {  	_ =	swait.ge [sflag:s6], $0xE000  }
0x49: {  	[sflag:s6] =	ssyncset.done $0x0  }
0x4a: {  	s31 =	sadd.s32 $0x0, s13;
	[sflag:s6] =	ssyncadd.s32 $0xFFFF2000  }
0x4b: {  	[hbm4b:s31+s5] =	stream.linear.scatter [tilespmem:s18], [sflag:$0x3], $0xE000, $0x38;
	[tilespmem:$0x1C500] =	vst v63  }
0x4c: {  	_ =	swait.ge [sflag:s23], $0xE000  }
0x4d: {  	s28 =	simm.s32 $0x1A8;
	[sflag:s23] =	ssyncset.done $0x0  }
0x4e: {  	s29 =	simm.s32 $0x3800;
	s30 =	simm.s32 $0x218;
	[sflag:s23] =	ssyncadd.s32 $0xFFFF2000  }
.LBB2_4:
0x4f: {  	[tilespmem:s20], [sflag:$0x2] =	stream.indirect.gather [hbm4b:s1+s16], $0x400, s28, s16, $0xb8;
	[tilespmem:$0x1C500] =	vst v63  }
0x50: {  	s0 =	smov.u32 s29;
	s28 =	smov.u32 s30  }
0x51: {  	p0 =	sne.s32 s29, $0x18800;
	s29 =	sadd.s32 $0x3800, s29;
	_ =	swait.ge [sflag:s21], $0xE000  }
0x52: {  	[sflag:s21] =	ssyncset.done $0x0  }
0x53: {  	s3 =	sadd.s32 s0, s12;
	[sflag:s21] =	ssyncadd.s32 $0xFFFF2000  }
0x54: {  	[hbm4b:s3+s5] =	stream.linear.scatter [tilespmem:s20], [sflag:$0x4], $0xE000, $0x38;
	[tilespmem:$0x1C500] =	vst v63  }
0x55: {  	_ =	swait.ge [sflag:s22], $0xE000  }
0x56: {  	[sflag:s22] =	ssyncset.done $0x0  }
0x57: {  	s3 =	sadd.s32 $0xFFFFFFC8, s30;
	[sflag:s22] =	ssyncadd.s32 $0xFFFF2000  }
0x58: {  	[tilespmem:s18], [sflag:$0x1] =	stream.indirect.gather [hbm4b:s1+s16], $0x400, s3, s16, $0xb8;
	[tilespmem:$0x1C500] =	vst v63  }
0x59: {  	_ =	swait.ge [sflag:s6], $0xE000  }
0x5a: {  	[sflag:s6] =	ssyncset.done $0x0  }
.Ltmp1:
0x5b: {  	s0 =	sadd.s32 s0, s13;
	[sflag:s6] =	ssyncadd.s32 $0xFFFF2000;
	(pc) =	sbr.rel @p0 .LBB2_4-.Ltmp1, $4  }
0x5c: {  	[hbm4b:s0+s5] =	stream.linear.scatter [tilespmem:s18], [sflag:$0x3], $0xE000, $0x38;
	[tilespmem:$0x1C500] =	vst v63  }
0x5d: {  	_ =	swait.ge [sflag:s23], $0xE000  }
0x5e: {  	[sflag:s23] =	ssyncset.done $0x0  }
0x5f: {  	s30 =	sadd.s32 $0x70, s30;
	[sflag:s23] =	ssyncadd.s32 $0xFFFF2000  }
0x60: {  	[tilespmem:s20], [sflag:$0x2] =	stream.indirect.gather [hbm4b:s1+s16], $0x400, s28, s16, $0xb8;
	[tilespmem:$0x1C500] =	vst v63  }
0x61: {  	_ =	swait.ge [sflag:s21], $0xE000  }
0x62: {  	[sflag:s21] =	ssyncset.done $0x0  }
0x63: {  	[sflag:s21] =	ssyncadd.s32 $0xFFFF2000  }
0x64: {  	[hbm4b:s9+s5] =	stream.linear.scatter [tilespmem:s20], [sflag:$0x4], $0xE000, $0x38;
	[tilespmem:$0x1C500] =	vst v63  }
0x65: {  	_ =	swait.ge [sflag:s22], $0xE000  }
0x66: {  	[sflag:s22] =	ssyncset.done $0x0  }
0x67: {  	[sflag:s22] =	ssyncadd.s32 $0xFFFF2000  }
0x68: {  	[tilespmem:s18], [sflag:$0x1] =	stream.indirect.gather [hbm4b:s1+s24], $0x400, s25, s24, $0xb8;
	[tilespmem:$0x1C500] =	vst v63  }
0x69: {  	_ =	swait.ge [sflag:s6], $0x4000  }
0x6a: {  	[sflag:s6] =	ssyncset.done $0x0  }
0x6b: {  	s26 =	sadd.s32 $0x1, s26;
	[sflag:s6] =	ssyncadd.s32 $0xFFFFC000  }
0x6c: {  	[hbm4b:s10+s5] =	stream.linear.scatter [tilespmem:s18], [sflag:$0x3], $0x4000, $0x38;
	[tilespmem:$0x1C500] =	vst v63  }
0x6d: {  	p0 =	sne.s32 s26, s11;
	_ =	swait.ge [sflag:s23], $0xE000  }
.Ltmp2:
0x6e: {  	[sflag:s23] =	ssyncset.done $0x0;
	(pc) =	sbr.rel @p0 .LBB2_1-.Ltmp2, $4  }
0x6f: {  	[sflag:s23] =	ssyncadd.s32 $0xFFFF2000  }
0x70: {  	_ =	swait.ge [sflag:s22], $0x4000  }
0x71: {  	[sflag:s22] =	ssyncset.done $0x0  }
0x72: {  	[sflag:s22] =	ssyncadd.s32 $0xFFFFC000  }
0x73: {  	_ =	sfence.sel $0x180000  }
0x74: {  	[bflag:$0x0] =	sbarrier.arrive $0xFFFF  }
0x75: {  	_ =	strace $0x90000047  }
0x76: {  	s0 =	stileid.u32;
	[bflag:$0x2] =	sbarrier.arrive $0xFFFF  }
0x77: {  	p0 =	sne.s32 s0, $0x0;
	s0 =	rddreg [dreg:$0x4]  }
0x78: {  	s0 =	sadd.s32 @!p0 $0x100000, s0  }
0x79: {  	[sflag:s0] =	ssyncadd.tile.s32 @!p0 $0x1;
	_ =	shalt  }
.Lfunc_end2:
_tile_overlayer_lowered:
.L_overlay_start_2:
0x7a: {  	(tag) =	ssettag $0x2  }
0x7b: {  	s0 =	rddreg [dreg:$0x0];
	s2 =	stileid.u32  }
0x7c: {  	s1 =	rddreg [dreg:$0x1];
	p0 =	sne.s32 s2, $0x0  }
0x7d: {  	s3 =	rddreg [dreg:$0x2];
	[bflag:$0x3] =	sbarrier.arrive $0xFFFF;
	s2 =	simm.s32 @!p0 $0x1C05  }
0x7e: {  	[timem:s3], [sflag:s2] =	dma.local @!p0 [hbm:s0], s1  }
0x7f: {  	s0 =	simm.s32 @!p0 $0x5  }
0x80: {  	_ =	swait.ge @!p0 [sflag:s0], s1  }
0x81: {  	s1 =	ssub.s32 @!p0 $0x0, s1;
	[sflag:s0] =	ssyncset.done @!p0 $0x0  }
0x82: {  	[sflag:s0] =	ssyncadd.s32 @!p0 s1  }
0x83: {  	[bflag:$0x3] =	sbarrier.arrive $0xFFFF  }
0x84: {  	_ =	shalt  }

</sc_bundles>
